<compile_context>
chip_gen: v7x
topology: tpu7x:2x2x1
jax: 0.10.2.dev20260603
libtpu: 0.0.44.dev20260713+nightly
codegen_flags: <defaults>
</compile_context>

<pallas_src>
import functools

import jax
import jax.numpy as jnp
from jax import lax
from jax.experimental import pallas as pl
from jax.experimental.pallas import tpu as pltpu
from jax.experimental.pallas import tpu_sc as plsc

VOCAB = 4096
D = 4096
B_TOK = 16384

_info = plsc.get_sparse_core_info()
NC = _info.num_cores
NS = _info.num_subcores
NW = NC * NS
BPW = B_TOK // NW
ROWS = 8
NCHUNK = BPW // ROWS
NBUF = 2


_mesh = plsc.VectorSubcoreMesh(core_axis_name="c", subcore_axis_name="s")


@functools.partial(
    pl.kernel,
    mesh=_mesh,
    out_type=jax.ShapeDtypeStruct((B_TOK, D), jnp.float32),
    scratch_types=[
        pltpu.VMEM((BPW,), jnp.int32),
        pltpu.VMEM((ROWS, D), jnp.float32),
        pltpu.VMEM((ROWS, D), jnp.float32),
        pltpu.SemaphoreType.DMA,
        pltpu.SemaphoreType.DMA,
        pltpu.SemaphoreType.DMA,
    ],
)
def _gather_rows(idx_hbm, table_hbm, out_hbm, idx_v, b0, b1, gsem, o0, o1):
    bufs = (b0, b1)
    osems = (o0, o1)
    wid = lax.axis_index("s") * NC + lax.axis_index("c")
    base = wid * BPW
    pltpu.sync_copy(idx_hbm.at[pl.ds(base, BPW)], idx_v)

    def issue_gather(c, b):
        return pltpu.async_copy(
            table_hbm.at[idx_v.at[pl.ds(c * ROWS, ROWS)]], bufs[b], gsem)

    def issue_out(c, b):
        pltpu.async_copy(
            bufs[b], out_hbm.at[pl.ds(base + c * ROWS, ROWS)], osems[b])

    def drain_out(c, b):
        pltpu.make_async_copy(
            bufs[b], out_hbm.at[pl.ds(base + c * ROWS, ROWS)],
            osems[b]).wait()

    def pair(c, drain):
        if drain:
            drain_out(c, 0)
        ga = issue_gather(c, 0)
        if drain:
            drain_out(c + 1, 1)
        gb = issue_gather(c + 1, 1)
        ga.wait()
        issue_out(c, 0)
        gb.wait()
        issue_out(c + 1, 1)

    pair(0, drain=False)

    @pl.loop(0, (NCHUNK - 2) // NBUF)
    def _body(o):
        pair(2 + o * NBUF, drain=True)

    drain_out(NCHUNK - 2, 0)
    drain_out(NCHUNK - 1, 1)


def kernel(x, table):
    idx = x.reshape(B_TOK).astype(jnp.int32)
    out = _gather_rows(idx, table)
    return out.reshape(x.shape[0], x.shape[1], D)

# --- scband reference (transcript-rebuilt; emitter-appended) ---
"""Pipeline reference for scband-bigram-language-model-9861244911643 (READ-ONLY COPY).

The authoritative reference and input builder live on the scoring server;
editing this copy changes nothing except your own understanding.
"""

import jax, jax.numpy as jnp
import numpy as np

VOCAB = 4096
B, T = 8, 2048

def setup_inputs(seed: int = 0) -> dict:
    key = jax.random.key(seed)
    k1, k2 = jax.random.split(key)
    x = jax.random.randint(k1, (B, T), 0, VOCAB, dtype=jnp.int64 if jax.config.jax_enable_x64 else jnp.int32)
    # nn.Embedding(vocab_size, vocab_size) weight, N(0,1) init like torch default
    table = jax.random.normal(k2, (VOCAB, VOCAB), dtype=jnp.float32)
    return {"x": x, "table": table}

def reference(x, table):
    # BigramLanguageModel.forward with targets=None:
    # logits = self.token_embedding_table(x) -> gather rows of table
    logits = jnp.take(table, x, axis=0)  # [B, T, VOCAB]
    return logits

if __name__ == "__main__":
    import jax
    _d = setup_inputs()
    print(jax.jit(kernel)(*tuple(_d.values())))

</pallas_src>

<mosaic_0001>
#map = affine_map<(d0, d1) -> (0)>
#map1 = affine_map<(d0, d1) -> (0, 0)>
module attributes {stable_mosaic.version = 14 : i64} {
  func.func @_gather_rows(%arg0: i32, %arg1: i32, %arg2: memref<16384xi32, #tpu.memory_space<hbm>>, %arg3: memref<4096x4096xf32, #tpu.memory_space<hbm>>, %arg4: memref<16384x4096xf32, #tpu.memory_space<hbm>>, %arg5: memref<512xi32, #tpu.memory_space<vmem>>, %arg6: memref<8x4096xf32, #tpu.memory_space<vmem>>, %arg7: memref<8x4096xf32, #tpu.memory_space<vmem>>, %arg8: memref<!tpu.dma_semaphore, #tpu.memory_space<semaphore_mem>>, %arg9: memref<!tpu.dma_semaphore, #tpu.memory_space<semaphore_mem>>, %arg10: memref<!tpu.dma_semaphore, #tpu.memory_space<semaphore_mem>>) attributes {dimension_semantics = [#tpu.dimension_semantics<core_parallel>, #tpu.dimension_semantics<subcore_parallel>], iteration_bounds = array<i64: 2, 16>, scalar_prefetch = 0 : i64, scratch_operands = 6 : i64, tpu.core_type = #tpu.core_type<sc_vector_subcore>, window_params = [{transform_indices = #map}, {transform_indices = #map1}, {transform_indices = #map1}]} {
    %mul3A = arith.constant 2 : i32
    %mul3A_0 = arith.muli %arg1, %mul3A : i32
    %add3A = arith.addi %mul3A_0, %arg0 : i32
    %mul3A_1 = arith.constant 512 : i32
    %mul3A_2 = arith.muli %add3A, %mul3A_1 : i32
    "tpu.region"() ({
      %run_scoped3A = tpu.sem_alloc : memref<!tpu.dma_semaphore, #tpu.memory_space<semaphore_mem>>
      %dma_start3A_49 = tpu.memref_slice %arg2[%mul3A_2] : memref<16384xi32, #tpu.memory_space<hbm>> -> memref<512xi32, #tpu.memory_space<hbm>>
      %dma_start3A_50 = tpu.memref_slice %arg2[%mul3A_2] : memref<16384xi32, #tpu.memory_space<hbm>> -> memref<512xi32, #tpu.memory_space<hbm>>
      tpu.enqueue_dma source(%dma_start3A_50 : memref<512xi32, #tpu.memory_space<hbm>>) target(%arg5 : memref<512xi32, #tpu.memory_space<vmem>>) target_semaphore(%run_scoped3A : memref<!tpu.dma_semaphore, #tpu.memory_space<semaphore_mem>>)
      %dma_wait3A_51 = tpu.memref_slice %arg2[%mul3A_2] : memref<16384xi32, #tpu.memory_space<hbm>> -> memref<512xi32, #tpu.memory_space<hbm>>
      %dma_wait3A_52 = tpu.memref_slice %arg2[%mul3A_2] : memref<16384xi32, #tpu.memory_space<hbm>> -> memref<512xi32, #tpu.memory_space<hbm>>
      tpu.wait_dma2 semaphore(%run_scoped3A : memref<!tpu.dma_semaphore, #tpu.memory_space<semaphore_mem>>) src(%dma_wait3A_52 : memref<512xi32, #tpu.memory_space<hbm>>) dst(%arg5 : memref<512xi32, #tpu.memory_space<vmem>>)
      tpu.yield
    }) : () -> ()
    %dma_start3A = arith.constant 0 : i32
    %dma_start3A_3 = tpu.memref_slice %arg5[%dma_start3A] : memref<512xi32, #tpu.memory_space<vmem>> -> memref<8xi32, #tpu.memory_space<vmem>>
    %dma_start3A_4 = arith.constant 0 : i32
    %dma_start3A_5 = arith.constant 0 : i32
    %dma_start3A_6 = tpu.memref_slice %arg3[%dma_start3A_4, %dma_start3A_5] : memref<4096x4096xf32, #tpu.memory_space<hbm>> -> memref<4096x4096xf32, #tpu.memory_space<hbm>>
    tpu.enqueue_indirect_dma source(%dma_start3A_6 : memref<4096x4096xf32, #tpu.memory_space<hbm>>) target(%arg6 : memref<8x4096xf32, #tpu.memory_space<vmem>>) offsets(%dma_start3A_3 : memref<8xi32, #tpu.memory_space<vmem>>) semaphore(%arg8 : memref<!tpu.dma_semaphore, #tpu.memory_space<semaphore_mem>>)
    %dma_start3A_7 = arith.constant 8 : i32
    %dma_start3A_8 = tpu.memref_slice %arg5[%dma_start3A_7] : memref<512xi32, #tpu.memory_space<vmem>> -> memref<8xi32, #tpu.memory_space<vmem>>
    %dma_start3A_9 = arith.constant 0 : i32
    %dma_start3A_10 = arith.constant 0 : i32
    %dma_start3A_11 = tpu.memref_slice %arg3[%dma_start3A_9, %dma_start3A_10] : memref<4096x4096xf32, #tpu.memory_space<hbm>> -> memref<4096x4096xf32, #tpu.memory_space<hbm>>
    tpu.enqueue_indirect_dma source(%dma_start3A_11 : memref<4096x4096xf32, #tpu.memory_space<hbm>>) target(%arg7 : memref<8x4096xf32, #tpu.memory_space<vmem>>) offsets(%dma_start3A_8 : memref<8xi32, #tpu.memory_space<vmem>>) semaphore(%arg8 : memref<!tpu.dma_semaphore, #tpu.memory_space<semaphore_mem>>)
    %dma_wait3A = arith.constant 0 : i32
    %dma_wait3A_12 = tpu.memref_slice %arg5[%dma_wait3A] : memref<512xi32, #tpu.memory_space<vmem>> -> memref<8xi32, #tpu.memory_space<vmem>>
    %dma_wait3A_13 = arith.constant 0 : i32
    %dma_wait3A_14 = arith.constant 0 : i32
    %dma_wait3A_15 = tpu.memref_slice %arg3[%dma_wait3A_13, %dma_wait3A_14] : memref<4096x4096xf32, #tpu.memory_space<hbm>> -> memref<4096x4096xf32, #tpu.memory_space<hbm>>
    tpu.wait_indirect_dma semaphore(%arg8 : memref<!tpu.dma_semaphore, #tpu.memory_space<semaphore_mem>>) src(%dma_wait3A_15 : memref<4096x4096xf32, #tpu.memory_space<hbm>>) dst(%arg6 : memref<8x4096xf32, #tpu.memory_space<vmem>>)
    %add3A_16 = arith.constant 0 : i32
    %add3A_17 = arith.addi %mul3A_2, %add3A_16 : i32
    %dma_start3A_18 = arith.constant 0 : i32
    %dma_start3A_19 = tpu.memref_slice %arg4[%add3A_17, %dma_start3A_18] : memref<16384x4096xf32, #tpu.memory_space<hbm>> -> memref<8x4096xf32, #tpu.memory_space<hbm>>
    %dma_start3A_20 = arith.constant 0 : i32
    %dma_start3A_21 = tpu.memref_slice %arg4[%add3A_17, %dma_start3A_20] : memref<16384x4096xf32, #tpu.memory_space<hbm>> -> memref<8x4096xf32, #tpu.memory_space<hbm>>
    tpu.enqueue_dma source(%arg6 : memref<8x4096xf32, #tpu.memory_space<vmem>>) target(%dma_start3A_21 : memref<8x4096xf32, #tpu.memory_space<hbm>>) target_semaphore(%arg9 : memref<!tpu.dma_semaphore, #tpu.memory_space<semaphore_mem>>)
    %dma_wait3A_22 = arith.constant 8 : i32
    %dma_wait3A_23 = tpu.memref_slice %arg5[%dma_wait3A_22] : memref<512xi32, #tpu.memory_space<vmem>> -> memref<8xi32, #tpu.memory_space<vmem>>
    %dma_wait3A_24 = arith.constant 0 : i32
    %dma_wait3A_25 = arith.constant 0 : i32
    %dma_wait3A_26 = tpu.memref_slice %arg3[%dma_wait3A_24, %dma_wait3A_25] : memref<4096x4096xf32, #tpu.memory_space<hbm>> -> memref<4096x4096xf32, #tpu.memory_space<hbm>>
    tpu.wait_indirect_dma semaphore(%arg8 : memref<!tpu.dma_semaphore, #tpu.memory_space<semaphore_mem>>) src(%dma_wait3A_26 : memref<4096x4096xf32, #tpu.memory_space<hbm>>) dst(%arg7 : memref<8x4096xf32, #tpu.memory_space<vmem>>)
    %add3A_27 = arith.constant 8 : i32
    %add3A_28 = arith.addi %mul3A_2, %add3A_27 : i32
    %dma_start3A_29 = arith.constant 0 : i32
    %dma_start3A_30 = tpu.memref_slice %arg4[%add3A_28, %dma_start3A_29] : memref<16384x4096xf32, #tpu.memory_space<hbm>> -> memref<8x4096xf32, #tpu.memory_space<hbm>>
    %dma_start3A_31 = arith.constant 0 : i32
    %dma_start3A_32 = tpu.memref_slice %arg4[%add3A_28, %dma_start3A_31] : memref<16384x4096xf32, #tpu.memory_space<hbm>> -> memref<8x4096xf32, #tpu.memory_space<hbm>>
    tpu.enqueue_dma source(%arg7 : memref<8x4096xf32, #tpu.memory_space<vmem>>) target(%dma_start3A_32 : memref<8x4096xf32, #tpu.memory_space<hbm>>) target_semaphore(%arg10 : memref<!tpu.dma_semaphore, #tpu.memory_space<semaphore_mem>>)
    %scan3A = arith.constant 0 : i32
    %scan3A_33 = arith.constant 31 : i32
    %scan3A_34 = arith.addi %scan3A, %scan3A_33 : i32
    %scan3A_35 = arith.constant 1 : i32
    scf.for %scan3A_49 = %scan3A to %scan3A_34 step %scan3A_35  : i32 {
      %mul3A_50 = arith.constant 1 : i32
      %mul3A_51 = arith.muli %scan3A_49, %mul3A_50 : i32
      %add3A_52 = arith.constant 0 : i32
      %add3A_53 = arith.addi %add3A_52, %mul3A_51 : i32
      %mul3A_54 = arith.constant 2 : i32
      %mul3A_55 = arith.muli %add3A_53, %mul3A_54 : i32
      %add3A_56 = arith.constant 2 : i32
      %add3A_57 = arith.addi %add3A_56, %mul3A_55 : i32
      %mul3A_58 = arith.constant 8 : i32
      %mul3A_59 = arith.muli %add3A_57, %mul3A_58 : i32
      %add3A_60 = arith.addi %mul3A_2, %mul3A_59 : i32
      %dma_wait3A_61 = arith.constant 0 : i32
      %dma_wait3A_62 = tpu.memref_slice %arg4[%add3A_60, %dma_wait3A_61] : memref<16384x4096xf32, #tpu.memory_space<hbm>> -> memref<8x4096xf32, #tpu.memory_space<hbm>>
      %dma_wait3A_63 = arith.constant 0 : i32
      %dma_wait3A_64 = tpu.memref_slice %arg4[%add3A_60, %dma_wait3A_63] : memref<16384x4096xf32, #tpu.memory_space<hbm>> -> memref<8x4096xf32, #tpu.memory_space<hbm>>
      tpu.wait_dma2 semaphore(%arg9 : memref<!tpu.dma_semaphore, #tpu.memory_space<semaphore_mem>>) src(%arg6 : memref<8x4096xf32, #tpu.memory_space<vmem>>) dst(%dma_wait3A_64 : memref<8x4096xf32, #tpu.memory_space<hbm>>)
      %mul3A_65 = arith.constant 8 : i32
      %mul3A_66 = arith.muli %add3A_57, %mul3A_65 : i32
      %dma_start3A_67 = tpu.memref_slice %arg5[%mul3A_66] : memref<512xi32, #tpu.memory_space<vmem>> -> memref<8xi32, #tpu.memory_space<vmem>>
      %dma_start3A_68 = arith.constant 0 : i32
      %dma_start3A_69 = arith.constant 0 : i32
      %dma_start3A_70 = tpu.memref_slice %arg3[%dma_start3A_68, %dma_start3A_69] : memref<4096x4096xf32, #tpu.memory_space<hbm>> -> memref<4096x4096xf32, #tpu.memory_space<hbm>>
      tpu.enqueue_indirect_dma source(%dma_start3A_70 : memref<4096x4096xf32, #tpu.memory_space<hbm>>) target(%arg6 : memref<8x4096xf32, #tpu.memory_space<vmem>>) offsets(%dma_start3A_67 : memref<8xi32, #tpu.memory_space<vmem>>) semaphore(%arg8 : memref<!tpu.dma_semaphore, #tpu.memory_space<semaphore_mem>>)
      %add3A_71 = arith.constant 1 : i32
      %add3A_72 = arith.addi %add3A_57, %add3A_71 : i32
      %mul3A_73 = arith.constant 8 : i32
      %mul3A_74 = arith.muli %add3A_72, %mul3A_73 : i32
      %add3A_75 = arith.addi %mul3A_2, %mul3A_74 : i32
      %dma_wait3A_76 = arith.constant 0 : i32
      %dma_wait3A_77 = tpu.memref_slice %arg4[%add3A_75, %dma_wait3A_76] : memref<16384x4096xf32, #tpu.memory_space<hbm>> -> memref<8x4096xf32, #tpu.memory_space<hbm>>
      %dma_wait3A_78 = arith.constant 0 : i32
      %dma_wait3A_79 = tpu.memref_slice %arg4[%add3A_75, %dma_wait3A_78] : memref<16384x4096xf32, #tpu.memory_space<hbm>> -> memref<8x4096xf32, #tpu.memory_space<hbm>>
      tpu.wait_dma2 semaphore(%arg10 : memref<!tpu.dma_semaphore, #tpu.memory_space<semaphore_mem>>) src(%arg7 : memref<8x4096xf32, #tpu.memory_space<vmem>>) dst(%dma_wait3A_79 : memref<8x4096xf32, #tpu.memory_space<hbm>>)
      %add3A_80 = arith.constant 1 : i32
      %add3A_81 = arith.addi %add3A_57, %add3A_80 : i32
      %mul3A_82 = arith.constant 8 : i32
      %mul3A_83 = arith.muli %add3A_81, %mul3A_82 : i32
      %dma_start3A_84 = tpu.memref_slice %arg5[%mul3A_83] : memref<512xi32, #tpu.memory_space<vmem>> -> memref<8xi32, #tpu.memory_space<vmem>>
      %dma_start3A_85 = arith.constant 0 : i32
      %dma_start3A_86 = arith.constant 0 : i32
      %dma_start3A_87 = tpu.memref_slice %arg3[%dma_start3A_85, %dma_start3A_86] : memref<4096x4096xf32, #tpu.memory_space<hbm>> -> memref<4096x4096xf32, #tpu.memory_space<hbm>>
      tpu.enqueue_indirect_dma source(%dma_start3A_87 : memref<4096x4096xf32, #tpu.memory_space<hbm>>) target(%arg7 : memref<8x4096xf32, #tpu.memory_space<vmem>>) offsets(%dma_start3A_84 : memref<8xi32, #tpu.memory_space<vmem>>) semaphore(%arg8 : memref<!tpu.dma_semaphore, #tpu.memory_space<semaphore_mem>>)
      %dma_wait3A_88 = tpu.memref_slice %arg5[%mul3A_66] : memref<512xi32, #tpu.memory_space<vmem>> -> memref<8xi32, #tpu.memory_space<vmem>>
      %dma_wait3A_89 = arith.constant 0 : i32
      %dma_wait3A_90 = arith.constant 0 : i32
      %dma_wait3A_91 = tpu.memref_slice %arg3[%dma_wait3A_89, %dma_wait3A_90] : memref<4096x4096xf32, #tpu.memory_space<hbm>> -> memref<4096x4096xf32, #tpu.memory_space<hbm>>
      tpu.wait_indirect_dma semaphore(%arg8 : memref<!tpu.dma_semaphore, #tpu.memory_space<semaphore_mem>>) src(%dma_wait3A_91 : memref<4096x4096xf32, #tpu.memory_space<hbm>>) dst(%arg6 : memref<8x4096xf32, #tpu.memory_space<vmem>>)
      %mul3A_92 = arith.constant 8 : i32
      %mul3A_93 = arith.muli %add3A_57, %mul3A_92 : i32
      %add3A_94 = arith.addi %mul3A_2, %mul3A_93 : i32
      %dma_start3A_95 = arith.constant 0 : i32
      %dma_start3A_96 = tpu.memref_slice %arg4[%add3A_94, %dma_start3A_95] : memref<16384x4096xf32, #tpu.memory_space<hbm>> -> memref<8x4096xf32, #tpu.memory_space<hbm>>
      %dma_start3A_97 = arith.constant 0 : i32
      %dma_start3A_98 = tpu.memref_slice %arg4[%add3A_94, %dma_start3A_97] : memref<16384x4096xf32, #tpu.memory_space<hbm>> -> memref<8x4096xf32, #tpu.memory_space<hbm>>
      tpu.enqueue_dma source(%arg6 : memref<8x4096xf32, #tpu.memory_space<vmem>>) target(%dma_start3A_98 : memref<8x4096xf32, #tpu.memory_space<hbm>>) target_semaphore(%arg9 : memref<!tpu.dma_semaphore, #tpu.memory_space<semaphore_mem>>)
      %dma_wait3A_99 = tpu.memref_slice %arg5[%mul3A_83] : memref<512xi32, #tpu.memory_space<vmem>> -> memref<8xi32, #tpu.memory_space<vmem>>
      %dma_wait3A_100 = arith.constant 0 : i32
      %dma_wait3A_101 = arith.constant 0 : i32
      %dma_wait3A_102 = tpu.memref_slice %arg3[%dma_wait3A_100, %dma_wait3A_101] : memref<4096x4096xf32, #tpu.memory_space<hbm>> -> memref<4096x4096xf32, #tpu.memory_space<hbm>>
      tpu.wait_indirect_dma semaphore(%arg8 : memref<!tpu.dma_semaphore, #tpu.memory_space<semaphore_mem>>) src(%dma_wait3A_102 : memref<4096x4096xf32, #tpu.memory_space<hbm>>) dst(%arg7 : memref<8x4096xf32, #tpu.memory_space<vmem>>)
      %add3A_103 = arith.constant 1 : i32
      %add3A_104 = arith.addi %add3A_57, %add3A_103 : i32
      %mul3A_105 = arith.constant 8 : i32
      %mul3A_106 = arith.muli %add3A_104, %mul3A_105 : i32
      %add3A_107 = arith.addi %mul3A_2, %mul3A_106 : i32
      %dma_start3A_108 = arith.constant 0 : i32
      %dma_start3A_109 = tpu.memref_slice %arg4[%add3A_107, %dma_start3A_108] : memref<16384x4096xf32, #tpu.memory_space<hbm>> -> memref<8x4096xf32, #tpu.memory_space<hbm>>
      %dma_start3A_110 = arith.constant 0 : i32
      %dma_start3A_111 = tpu.memref_slice %arg4[%add3A_107, %dma_start3A_110] : memref<16384x4096xf32, #tpu.memory_space<hbm>> -> memref<8x4096xf32, #tpu.memory_space<hbm>>
      tpu.enqueue_dma source(%arg7 : memref<8x4096xf32, #tpu.memory_space<vmem>>) target(%dma_start3A_111 : memref<8x4096xf32, #tpu.memory_space<hbm>>) target_semaphore(%arg10 : memref<!tpu.dma_semaphore, #tpu.memory_space<semaphore_mem>>)
    }
    %scan3A_36 = arith.constant 31 : i32
    %add3A_37 = arith.constant 496 : i32
    %add3A_38 = arith.addi %mul3A_2, %add3A_37 : i32
    %dma_wait3A_39 = arith.constant 0 : i32
    %dma_wait3A_40 = tpu.memref_slice %arg4[%add3A_38, %dma_wait3A_39] : memref<16384x4096xf32, #tpu.memory_space<hbm>> -> memref<8x4096xf32, #tpu.memory_space<hbm>>
    %dma_wait3A_41 = arith.constant 0 : i32
    %dma_wait3A_42 = tpu.memref_slice %arg4[%add3A_38, %dma_wait3A_41] : memref<16384x4096xf32, #tpu.memory_space<hbm>> -> memref<8x4096xf32, #tpu.memory_space<hbm>>
    tpu.wait_dma2 semaphore(%arg9 : memref<!tpu.dma_semaphore, #tpu.memory_space<semaphore_mem>>) src(%arg6 : memref<8x4096xf32, #tpu.memory_space<vmem>>) dst(%dma_wait3A_42 : memref<8x4096xf32, #tpu.memory_space<hbm>>)
    %add3A_43 = arith.constant 504 : i32
    %add3A_44 = arith.addi %mul3A_2, %add3A_43 : i32
    %dma_wait3A_45 = arith.constant 0 : i32
    %dma_wait3A_46 = tpu.memref_slice %arg4[%add3A_44, %dma_wait3A_45] : memref<16384x4096xf32, #tpu.memory_space<hbm>> -> memref<8x4096xf32, #tpu.memory_space<hbm>>
    %dma_wait3A_47 = arith.constant 0 : i32
    %dma_wait3A_48 = tpu.memref_slice %arg4[%add3A_44, %dma_wait3A_47] : memref<16384x4096xf32, #tpu.memory_space<hbm>> -> memref<8x4096xf32, #tpu.memory_space<hbm>>
    tpu.wait_dma2 semaphore(%arg10 : memref<!tpu.dma_semaphore, #tpu.memory_space<semaphore_mem>>) src(%arg7 : memref<8x4096xf32, #tpu.memory_space<vmem>>) dst(%dma_wait3A_48 : memref<8x4096xf32, #tpu.memory_space<hbm>>)
    return
  }
}

</mosaic_0001>

<sc_bundles>
// kernel: kernel.3.cloned.1.call-start
scs
__scs_entry_jumppad:
0x0: {  	(pc) =	sbr.rel $0x88, $3  }
0x1: {  	(tag) =	ssettag $0x0;
	lr =	simm.s32 $0x1  }
0x2: {  	[smem:$0x3F9F] =	sst lr;
	_ =	strace $0xD0000000  }
0x3: {  	_ = 	snop  }
0x4: {  	_ = 	snop  }
0x5: {  	_ = 	snop  }
0x6: {  	_ = 	snop  }
0x7: {  	_ = 	snop  }
__scs_overlays_trampoline_lowered:
0x8: {  	[smem:$0x3FAE] =	sst s0  }
0x9: {  	[smem:$0x3FAF] =	sst s1  }
0xa: {  	[smem:$0x3FB0] =	sst s2  }
0xb: {  	[smem:$0x3FB1] =	sst s3  }
0xc: {  	[smem:$0x3FB2] =	sst s4  }
0xd: {  	[smem:$0x3FB3] =	sst s5  }
0xe: {  	[smem:$0x3FB4] =	sst s6  }
0xf: {  	[smem:$0x3FB5] =	sst s7  }
0x10: {  	[smem:$0x3FB6] =	sst s8  }
0x11: {  	[smem:$0x3FB7] =	sst s9;
	s0 =	simm.s32 @!p0 $0x0  }
0x12: {  	s1 =	sld [smem:$0x3F9D];
	s0 =	simm.s32 @p0 $0x1  }
0x13: {  	[smem:$0x3FB8] =	sst s0;
	s0 =	simm.s32 @!p1 $0x0  }
0x14: {  	s2 =	sld [smem:$0x3F9C];
	s0 =	simm.s32 @p1 $0x1  }
0x15: {  	[smem:$0x3FB9] =	sst s0;
	s0 =	simm.s32 @!p2 $0x0  }
0x16: {  	s3 =	sld [smem:$0x3FDB];
	s0 =	simm.s32 @p2 $0x1  }
0x17: {  	s4 =	simm.s32 $0x1BF5;
	[smem:$0x3FBB] =	sst s0  }
0x18: {  	s0 =	sld [smem:$0x3F9E];
	_ =	swait.ge [sflag:s4], $0x0  }
0x19: {  	s7 =	sld [smem:$0x3F9F]  }
0x1a: {  	s8 =	sadd.s32 $0xFFFFE003, lr  }
0x1b: {  	s9 =	sadd.s32 $0xFFFFFEF7, lr;
	s5 =	simm.s32 $0xFFFFFFFF;
	p2 =	slt.u32 s8, $0xFFFFF086  }
0x1c: {  	p1 =	slt.u32 s9, $0xF7A;
	s5 =	simm.s32 @!p2 $0x0  }
0x1d: {  	s5 =	simm.s32 @p1 $0x1;
	p0 =	seq.s32 s7, s2  }
0x1e: {  	s7 =	smul.u32 @!p0 $0xF7A, s2;
	p2 =	seq.s32 @!p0 s5, $0x0  }
0x1f: {  	s9 =	smul.u32 $0xF7A, s1;
	s8 =	simm.s32 @!p0 $0x1BF5;
	p2 =	por !p2, p0  }
0x20: {  	[sflag:s8] =	ssyncset.s32 @!p0 $0xFFFFF086;
	s6 =	sadd.s32 @!p0 s3, s7;
	s7 =	simm.s32 @!p0 $0x108  }
0x21: {  	s3 =	sadd.s32 s3, s9;
	s6 =	sadd.s32 @!p0 $0x88, s6;
	s7 =	simm.s32 @p2 $0x1082  }
0x22: {  	[simem:s7], [sflag:s8] =	dma.local @!p0 [hbm:s6], $0xF7A  }
0x23: {  	s9 =	sor.u32 $0xD0000000, s2;
	s6 =	simm.s32 $0x108;
	_ =	swait.ge @!p0 [sflag:s8], $0x0  }
0x24: {  	s3 =	sadd.s32 $0x88, s3;
	s6 =	simm.s32 @!p1 $0x1082;
	[sflag:s4] =	ssyncset.s32 $0xFFFFF086  }
0x25: {  	[simem:s6], [sflag:s4] =	dma.local [hbm:s3], $0xF7A  }
0x26: {  	[smem:$0x3F9F] =	sst s1;
	(tag) =	ssettag s2;
	_ =	strace s9  }
0x27: {  	s1 =	sld [smem:$0x3FAF]  }
0x28: {  	s2 =	sld [smem:$0x3FB0]  }
0x29: {  	s4 =	sld [smem:$0x3FB2]  }
0x2a: {  	p0 =	seq.s32 s5, $0x0;
	s5 =	sld [smem:$0x3FB3]  }
0x2b: {  	s6 =	sld [smem:$0x3FB4]  }
0x2c: {  	s7 =	sld [smem:$0x3FB5]  }
0x2d: {  	s3 =	simm.s32 $0x108;
	s8 =	sld [smem:$0x3FB6]  }
0x2e: {  	s3 =	simm.s32 @!p0 $0x1082;
	s9 =	sld [smem:$0x3FB7]  }
0x2f: {  	lr =	sadd.s32 s0, s3;
	s0 =	sld [smem:$0x3FAE]  }
0x30: {  	s3 =	sld [smem:$0x3FB1]  }
0x31: {  	[smem:$0x3FBA] =	sst s10  }
0x32: {  	s10 =	sld [smem:$0x3FB8];
	_ =	sdelay $0x3  }
0x33: {  	p0 =	seq.s32 s10, $0x1;
	s10 =	sld [smem:$0x3FBA];
	_ =	sdelay $0x3  }
0x34: {  	[smem:$0x3FBA] =	sst s10  }
0x35: {  	s10 =	sld [smem:$0x3FB9];
	_ =	sdelay $0x3  }
0x36: {  	p1 =	seq.s32 s10, $0x1;
	s10 =	sld [smem:$0x3FBA];
	_ =	sdelay $0x3  }
0x37: {  	[smem:$0x3FBA] =	sst s10  }
0x38: {  	s10 =	sld [smem:$0x3FBB]  }
0x39: {  	_ = 	snop;
	(pc) =	sbr.ind lr, $3  }
0x3a: {  	_ = 	snop  }
0x3b: {  	_ = 	snop  }
0x3c: {  	p2 =	seq.s32 s10, $0x1;
	s10 =	sld [smem:$0x3FBA]  }
0x3d: {  	_ =	shalt  }
0x3e: {  	_ =	shalt  }
0x3f: {  	_ =	shalt  }
0x40: {  	_ =	shalt  }
0x41: {  	_ =	shalt  }
0x42: {  	_ =	shalt  }
0x43: {  	_ =	shalt  }
0x44: {  	_ =	shalt  }
0x45: {  	_ =	shalt  }
0x46: {  	_ =	shalt  }
0x47: {  	_ =	shalt  }
0x48: {  	_ =	shalt  }
0x49: {  	_ =	shalt  }
0x4a: {  	_ =	shalt  }
0x4b: {  	_ =	shalt  }
0x4c: {  	_ =	shalt  }
0x4d: {  	_ =	shalt  }
0x4e: {  	_ =	shalt  }
0x4f: {  	_ =	shalt  }
0x50: {  	_ =	shalt  }
0x51: {  	_ =	shalt  }
0x52: {  	_ =	shalt  }
0x53: {  	_ =	shalt  }
0x54: {  	_ =	shalt  }
0x55: {  	_ =	shalt  }
0x56: {  	_ =	shalt  }
0x57: {  	_ =	shalt  }
0x58: {  	_ =	shalt  }
0x59: {  	_ =	shalt  }
0x5a: {  	_ =	shalt  }
0x5b: {  	_ =	shalt  }
0x5c: {  	_ =	shalt  }
0x5d: {  	_ =	shalt  }
0x5e: {  	_ =	shalt  }
0x5f: {  	_ =	shalt  }
0x60: {  	_ =	shalt  }
0x61: {  	_ =	shalt  }
0x62: {  	_ =	shalt  }
0x63: {  	_ =	shalt  }
0x64: {  	_ =	shalt  }
0x65: {  	_ =	shalt  }
0x66: {  	_ =	shalt  }
0x67: {  	_ =	shalt  }
0x68: {  	_ =	shalt  }
0x69: {  	_ =	shalt  }
0x6a: {  	_ =	shalt  }
0x6b: {  	_ =	shalt  }
0x6c: {  	_ =	shalt  }
0x6d: {  	_ =	shalt  }
0x6e: {  	_ =	shalt  }
0x6f: {  	_ =	shalt  }
0x70: {  	_ =	shalt  }
0x71: {  	_ =	shalt  }
0x72: {  	_ =	shalt  }
0x73: {  	_ =	shalt  }
0x74: {  	_ =	shalt  }
0x75: {  	_ =	shalt  }
0x76: {  	_ =	shalt  }
0x77: {  	_ =	shalt  }
0x78: {  	_ =	shalt  }
0x79: {  	_ =	shalt  }
0x7a: {  	_ =	shalt  }
0x7b: {  	_ =	shalt  }
0x7c: {  	_ =	shalt  }
0x7d: {  	_ =	shalt  }
0x7e: {  	_ =	shalt  }
0x7f: {  	_ =	shalt  }
0x80: {  	_ =	shalt  }
0x81: {  	_ =	shalt  }
0x82: {  	_ =	shalt  }
0x83: {  	_ =	shalt  }
0x84: {  	_ =	shalt  }
0x85: {  	_ =	shalt  }
0x86: {  	_ =	shalt  }
0x87: {  	_ =	shalt  }
.Lfunc_end0:
.L_simem_size_0:
called_computation_lowered:
.L_overlay_start_0:
0x88: {  	s2 =	sld [smem:$0x3FD9]  }
0x89: {  	s3 =	sld [smem:$0x3FFE];
	_ =	sdelay $0x1  }
0x8a: {  	s1 =	srdreg.scid  }
0x8b: {  	s0 =	sand.u32 $0x1, s1  }
0x8c: {  	s17 =	sshll.u32 s0, $0xA;
	s2 =	sadd.s32 s3, s2  }
0x8d: {  	s2 =	sadd.s32 s2, s17  }
0x8e: {  	[smem:$0x3FC6] =	sst s2  }
0x8f: {  	_ = 	snop  }
0x90: {  	s2 =	sld [smem:$0x3FC8]  }
0x91: {  	s18 =	sld [smem:$0x3FD0];
	(tm) =	ssettm $0x1  }
0x92: {  	s4 =	sld [smem:$0x3FFB];
	_ =	sdelay $0x3  }
0x93: {  	_ =	strace s4  }
0x94: {  	s4 =	sld [smem:$0x3FFC];
	_ =	sdelay $0x3  }
0x95: {  	_ =	strace s4  }
0x96: {  	s4 =	sld [smem:$0x3FFD];
	_ =	sdelay $0x3  }
0x97: {  	_ =	strace s4  }
0x98: {  	_ =	strace $0x8FFFFFFF  }
0x99: {  	s19 =	sld [smem:$0x3FDB];
	_ =	sdelay $0x1  }
0x9a: {  	s5 =	simm.s32 $_scs_section_size  }
0x9b: {  	s6 =	simm.s32 $_size__tile_overlayer_lowered;
	s7 =	simm.s32 $_tile_overlayer_lowered  }
0x9c: {  	s22 =	simm.s32 $0x1BFF;
	s21 =	sshll.u32 s7, $0x1;
	s4 =	sadd.s32 s5, s19  }
0x9d: {  	s8 =	simm.s32 $0x0;
	s20 =	sshll.u32 s6, $0x1;
	s6 =	sadd.s32 s21, s4  }
0x9e: {  	[timem:s8], [sflag:s22] =	dma.local [hbm:s6], s20  }
0x9f: {  	_ =	swait.ge [sflag:s22], s20  }
0xa0: {  	s5 =	ssub.s32 $0x0, s20;
	[sflag:s22] =	ssyncset.done $0x0  }
0xa1: {  	[sflag:s22] =	ssyncadd.s32 s5;
	_ =	sdelay $0x1  }
0xa2: {  	s23 =	simm.s32 $0x1B8B  }
0xa3: {  	_ =	swait.ge [sflag:s23], $0x1  }
0xa4: {  	[sflag:s23] =	ssyncset.done $0x0  }
0xa5: {  	s25 =	simm.s32 $0x1B8E;
	s24 =	sld [smem:$0x3FFE];
	[sflag:s23] =	ssyncadd.s32 $0xFFFFFFFF  }
0xa6: {  	s26 =	simm.s32 $execute0_lowered;
	[smem:$0x3FD2] =	sst s25  }
0xa7: {  	s6 =	sshll.u32 s26, $0x1;
	_ =	strace $0x80000046;
	[dreg:$0x1] =	wrdreg $0xFFFFFFFF  }
0xa8: {  	s28 =	simm.s32 $_size_execute0_lowered;
	s4 =	sadd.s32 s4, s6;
	[dreg:$0x0] =	wrdreg $0x0  }
0xa9: {  	s6 =	sshll.u32 s28, $0x1;
	[dreg:$0x2] =	wrdreg s4  }
0xaa: {  	[dreg:$0x3] =	wrdreg s6  }
0xab: {  	[dreg:$0x4] =	wrdreg $0xC0  }
0xac: {  	_ =	task [dreg:s8], $0x5FFFF  }
0xad: {  	[dreg:$0x1] =	wrdreg $0xFFFFFFFF  }
0xae: {  	[dreg:$0x0] =	wrdreg $0x60  }
0xaf: {  	[dreg:$0x2] =	wrdreg s24  }
0xb0: {  	[dreg:$0x3] =	wrdreg s2  }
0xb1: {  	[dreg:$0x4] =	wrdreg s18  }
0xb2: {  	[dreg:$0x5] =	wrdreg $0x9  }
0xb3: {  	_ =	task.clear_ibuf [dreg:s8], $0x6FFFF;
	_ =	strace $0x90000046  }
0xb4: {  	s29 =	simm.s32 $0x9;
	_ =	strace $0x80000048  }
0xb5: {  	_ =	swait.ge [sflag:s29], $0x1  }
0xb6: {  	[sflag:s29] =	ssyncadd.s32 $0xFFFFFFFF  }
0xb7: {  	_ =	strace $0x90000048  }
0xb8: {  	_ =	sfence  }
0xb9: {  	s30 =	sld [smem:$0x0];
	_ =	sdelay $0x2  }
0xba: {  	s31 =	sshll.u32 s1, $0xD;
	s1 =	sshrl.u32 s1, $0x2  }
0xbb: {  	s3 =	sand.u32 $0x4000, s31;
	s1 =	sadd.s32 s1, s30  }
0xbc: {  	s0 =	sor.u32 s3, s0;
	s1 =	sshll.u32 s1, $0x11  }
0xbd: {  	s0 =	sor.u32 s1, s0  }
0xbe: {  	s0 =	sadd.s32 $0x8F2B, s0  }
0xbf: {  	[sflag:s0] =	ssyncadd.remote.s32 $0x1  }
0xc0: {  	_ =	sfence.sel $0xFFFF  }
0xc1: {  	[dreg:$0x0] =	wrdreg $0xFFFFFFFF;
	(pc) =	sbr.abs _section_cstart, $3  }
0xc2: {  	[dreg:$0x1] =	wrdreg $0xFFFFFFFF  }
0xc3: {  	_ =	task.clear_ibuf [dreg:s8], $0x2FFFF;
	_ =	strace $0x9FFFFFFF  }
0xc4: {  	(tm) =	ssettm $0x7FFFFFFF  }
0xc5: {  	_ =	shalt  }
tec
execute0_lowered:
.L_overlay_start_1:
0x0: {  	(tag) =	ssettag $0x1  }
0x1: {  	s0 =	rddreg [dreg:$0x0]  }
0x2: {  	s1 =	srdreg.scid;
	s30 =	rddreg [dreg:$0x1]  }
0x3: {  	s20 =	stileid.u32;
	s4 =	rddreg [dreg:$0x2]  }
0x4: {  	s3 =	simm.s32 $0x0;
	s28 =	simm.s32 $0x2A00;
	s2 =	simm.s32 $0x3A00  }
0x5: {  	s31 =	simm.s32 $0x4200;
	s29 =	simm.s32 $0x8200;
	s1 =	sand.u32 $0x1, s1  }
0x6: {  	s5 =	sshll.u32 s20, $0xA;
	[smem:$0x7FF] =	sst s3;
	s7 =	sadd.s32 $0x300, s30  }
0x7: {  	s8 =	sadd.s32 $0x400, s30;
	s9 =	sadd.s32 $0x500, s30;
	s10 =	sadd.s32 $0x600, s30  }
0x8: {  	s11 =	sadd.s32 $0x700, s30;
	s12 =	sadd.s32 $0x800, s30;
	s13 =	sadd.s32 $0x900, s30  }
0x9: {  	s14 =	sadd.s32 $0xA00, s30;
	s15 =	sadd.s32 $0xB00, s30;
	s16 =	sadd.s32 $0xC00, s30  }
0xa: {  	s17 =	sadd.s32 $0xD00, s30;
	s23 =	sshll.u32 s20, $0x13;
	s20 =	sadd.s32 $0xF00, s30  }
0xb: {  	s6 =	sshll.u32 s1, $0x9;
	s18 =	ssub.s32 $0x2, s1;
	_ =	strace $0x80000047  }
0xc: {  	s24 =	sadd.s32 s23, s4;
	s1 =	sshll.u32 s1, $0x12;
	s23 =	simm.s32 $0x1200  }
0xd: {  	s19 =	sor.u32 s6, s5;
	s21 =	sshrl.u32 s18, $0x1;
	s6 =	sadd.s32 $0x200, s30  }
0xe: {  	s5 =	sshrl.u32 s19, $0x3;
	s21 =	ssub.s32 s18, s21;
	s18 =	sadd.s32 $0xE00, s30  }
0xf: {  	s22 =	sshll.u32 s19, $0x9;
	s19 =	simm.s32 $0x0;
	s0 =	sadd.s32 s5, s0  }
0x10: {  	s5 =	sadd.s32 $0x100, s30;
	s22 =	sadd.s32 s4, s22;
	[dreg:$0x9] =	wrdreg s19  }
0x11: {  	s26 =	smax.u32 s21, $0x1;
	s4 =	simm.s32 $0x2;
	[dreg:$0x5] =	wrdreg s22  }
0x12: {  	s21 =	simm.s32 $0x3;
	s0 =	sadd.s32 $0x400, s0;
	[dreg:$0x7] =	wrdreg s26  }
0x13: {  	s25 =	sadd.s32 $0x1000, s22;
	s22 =	simm.s32 $0xA00;
	[dreg:$0x4] =	wrdreg s0  }
0x14: {  	v0 =	vlaneseq.u32;
	s26 =	simm.s32 $0x2200;
	[dreg:$0x6] =	wrdreg s25;
	s0 =	sadd.s32 s1, s24  }
0x15: {  	v1 =	vshrl.u32 v0, $0x3;
	s25 =	simm.s32 $0x200;
	s24 =	simm.s32 $0x1A00;
	s0 =	sadd.s32 $0x3000, s0  }
0x16: {  	vm0 =	vmmov $0xffff;
	v0 =	vand.u32 $0x7, v0;
	v1 =	vmul.u32 $0x8, v1;
	s1 =	simm.s32 $0x3200;
	[dreg:$0x8] =	wrdreg s0;
	s0 =	simm.s32 $0x1  }
.LBB2_1:
0x17: {  	s19 =	rddreg [dreg:$0x4]  }
0x18: {  	[tilespmem:s3], [sflag:$0x4] =	stream.linear.gather [hbm4b:s19+s3], $0x200, $0x38;
	[tilespmem:$0x10200] =	vst v63  }
0x19: {  	s19 =	simm.s32 $0x4  }
0x1a: {  	_ =	swait.ge [sflag:s19], $0x200  }
0x1b: {  	[sflag:s19] =	ssyncset.done $0x0  }
0x1c: {  	[sflag:s19] =	ssyncadd.s32 $0xFFFFFE00  }
0x1d: {  	v2 =	vld.msk [tilespmem:$0x0], $0xff;
	_ =	sdelay $0x4  }
0x1e: {  	v3 =	vshll.u32 v2, $0x5  }
0x1f: {  	v2 =	vand.u32 $0x7, v2;
	v3 =	vand.u32 $0xFFFFFF00, v3  }
0x20: {  	v2 =	vor.u32 v2, v3  }
0x21: {  	v2 =	vperm.xlane v2, v0;
	_ =	sdelay $0x1  }
0x22: {  	v2 =	vadd.s32 v1, v2;
	_ =	sdelay $0x4  }
0x23: {  	[tilespmem:s25], [sflag:$0x1] =	stream.indirect_vreg.gather [hbm4b:s30+s3], $0x80, v2, vm0, $0xb8;
	[tilespmem:$0x10200] =	vst v63  }
0x24: {  	_ = 	snop  }
0x25: {  	[tilespmem:s22], [sflag:$0x1] =	stream.indirect_vreg.gather [hbm4b:s5+s3], $0x80, v2, vm0, $0xb8;
	[tilespmem:$0x10200] =	vst v63  }
0x26: {  	_ = 	snop  }
0x27: {  	[tilespmem:s23], [sflag:$0x1] =	stream.indirect_vreg.gather [hbm4b:s6+s3], $0x80, v2, vm0, $0xb8;
	[tilespmem:$0x10200] =	vst v63  }
0x28: {  	_ = 	snop  }
0x29: {  	[tilespmem:s24], [sflag:$0x1] =	stream.indirect_vreg.gather [hbm4b:s7+s3], $0x80, v2, vm0, $0xb8;
	[tilespmem:$0x10200] =	vst v63  }
0x2a: {  	_ = 	snop  }
0x2b: {  	[tilespmem:s26], [sflag:$0x1] =	stream.indirect_vreg.gather [hbm4b:s8+s3], $0x80, v2, vm0, $0xb8;
	[tilespmem:$0x10200] =	vst v63  }
0x2c: {  	_ = 	snop  }
0x2d: {  	[tilespmem:s28], [sflag:$0x1] =	stream.indirect_vreg.gather [hbm4b:s9+s3], $0x80, v2, vm0, $0xb8;
	[tilespmem:$0x10200] =	vst v63  }
0x2e: {  	_ = 	snop  }
0x2f: {  	[tilespmem:s1], [sflag:$0x1] =	stream.indirect_vreg.gather [hbm4b:s10+s3], $0x80, v2, vm0, $0xb8;
	[tilespmem:$0x10200] =	vst v63  }
0x30: {  	_ = 	snop  }
0x31: {  	[tilespmem:s2], [sflag:$0x1] =	stream.indirect_vreg.gather [hbm4b:s11+s3], $0x80, v2, vm0, $0xb8;
	[tilespmem:$0x10200] =	vst v63  }
0x32: {  	_ = 	snop  }
0x33: {  	[tilespmem:s31], [sflag:$0x1] =	stream.indirect_vreg.gather [hbm4b:s12+s3], $0x80, v2, vm0, $0xb8;
	[tilespmem:$0x10200] =	vst v63  }
0x34: {  	s2 =	simm.s32 $0x4A00  }
0x35: {  	[tilespmem:s2], [sflag:$0x1] =	stream.indirect_vreg.gather [hbm4b:s13+s3], $0x80, v2, vm0, $0xb8;
	[tilespmem:$0x10200] =	vst v63  }
0x36: {  	s19 =	simm.s32 $0x5200  }
0x37: {  	[tilespmem:s19], [sflag:$0x1] =	stream.indirect_vreg.gather [hbm4b:s14+s3], $0x80, v2, vm0, $0xb8;
	[tilespmem:$0x10200] =	vst v63  }
0x38: {  	s22 =	simm.s32 $0x5A00  }
0x39: {  	[tilespmem:s22], [sflag:$0x1] =	stream.indirect_vreg.gather [hbm4b:s15+s3], $0x80, v2, vm0, $0xb8;
	[tilespmem:$0x10200] =	vst v63  }
0x3a: {  	s23 =	simm.s32 $0x6200  }
0x3b: {  	[tilespmem:s23], [sflag:$0x1] =	stream.indirect_vreg.gather [hbm4b:s16+s3], $0x80, v2, vm0, $0xb8;
	[tilespmem:$0x10200] =	vst v63  }
0x3c: {  	s24 =	simm.s32 $0x6A00  }
0x3d: {  	[tilespmem:s24], [sflag:$0x1] =	stream.indirect_vreg.gather [hbm4b:s17+s3], $0x80, v2, vm0, $0xb8;
	[tilespmem:$0x10200] =	vst v63  }
0x3e: {  	s26 =	simm.s32 $0x7200  }
0x3f: {  	[tilespmem:s26], [sflag:$0x1] =	stream.indirect_vreg.gather [hbm4b:s18+s3], $0x80, v2, vm0, $0xb8;
	[tilespmem:$0x10200] =	vst v63  }
0x40: {  	s2 =	simm.s32 $0x7A00  }
0x41: {  	[tilespmem:s2], [sflag:$0x1] =	stream.indirect_vreg.gather [hbm4b:s20+s3], $0x80, v2, vm0, $0xb8;
	[tilespmem:$0x10200] =	vst v63  }
0x42: {  	v2 =	vld.msk [tilespmem:$0x8], $0xff;
	_ =	sdelay $0x4  }
0x43: {  	v3 =	vshll.u32 v2, $0x5  }
0x44: {  	v2 =	vand.u32 $0x7, v2;
	v3 =	vand.u32 $0xFFFFFF00, v3  }
0x45: {  	v2 =	vor.u32 v2, v3  }
0x46: {  	v2 =	vperm.xlane v2, v0;
	_ =	sdelay $0x1  }
0x47: {  	v2 =	vadd.s32 v1, v2;
	_ =	sdelay $0x4  }
0x48: {  	[tilespmem:s29], [sflag:$0x1] =	stream.indirect_vreg.gather [hbm4b:s30+s3], $0x80, v2, vm0, $0xb8;
	[tilespmem:$0x10200] =	vst v63  }
0x49: {  	s19 =	simm.s32 $0x8A00  }
0x4a: {  	[tilespmem:s19], [sflag:$0x1] =	stream.indirect_vreg.gather [hbm4b:s5+s3], $0x80, v2, vm0, $0xb8;
	[tilespmem:$0x10200] =	vst v63  }
0x4b: {  	s22 =	simm.s32 $0x9200  }
0x4c: {  	[tilespmem:s22], [sflag:$0x1] =	stream.indirect_vreg.gather [hbm4b:s6+s3], $0x80, v2, vm0, $0xb8;
	[tilespmem:$0x10200] =	vst v63  }
0x4d: {  	s23 =	simm.s32 $0x9A00  }
0x4e: {  	[tilespmem:s23], [sflag:$0x1] =	stream.indirect_vreg.gather [hbm4b:s7+s3], $0x80, v2, vm0, $0xb8;
	[tilespmem:$0x10200] =	vst v63  }
0x4f: {  	s24 =	simm.s32 $0xA200  }
0x50: {  	[tilespmem:s24], [sflag:$0x1] =	stream.indirect_vreg.gather [hbm4b:s8+s3], $0x80, v2, vm0, $0xb8;
	[tilespmem:$0x10200] =	vst v63  }
0x51: {  	s26 =	simm.s32 $0xAA00  }
0x52: {  	[tilespmem:s26], [sflag:$0x1] =	stream.indirect_vreg.gather [hbm4b:s9+s3], $0x80, v2, vm0, $0xb8;
	[tilespmem:$0x10200] =	vst v63  }
0x53: {  	s2 =	simm.s32 $0xB200  }
0x54: {  	[tilespmem:s2], [sflag:$0x1] =	stream.indirect_vreg.gather [hbm4b:s10+s3], $0x80, v2, vm0, $0xb8;
	[tilespmem:$0x10200] =	vst v63  }
0x55: {  	s19 =	simm.s32 $0xBA00  }
0x56: {  	[tilespmem:s19], [sflag:$0x1] =	stream.indirect_vreg.gather [hbm4b:s11+s3], $0x80, v2, vm0, $0xb8;
	[tilespmem:$0x10200] =	vst v63  }
0x57: {  	s22 =	simm.s32 $0xC200  }
0x58: {  	[tilespmem:s22], [sflag:$0x1] =	stream.indirect_vreg.gather [hbm4b:s12+s3], $0x80, v2, vm0, $0xb8;
	[tilespmem:$0x10200] =	vst v63  }
0x59: {  	s23 =	simm.s32 $0xCA00  }
0x5a: {  	[tilespmem:s23], [sflag:$0x1] =	stream.indirect_vreg.gather [hbm4b:s13+s3], $0x80, v2, vm0, $0xb8;
	[tilespmem:$0x10200] =	vst v63  }
0x5b: {  	s24 =	simm.s32 $0xD200  }
0x5c: {  	[tilespmem:s24], [sflag:$0x1] =	stream.indirect_vreg.gather [hbm4b:s14+s3], $0x80, v2, vm0, $0xb8;
	[tilespmem:$0x10200] =	vst v63  }
0x5d: {  	s26 =	simm.s32 $0xDA00  }
0x5e: {  	[tilespmem:s26], [sflag:$0x1] =	stream.indirect_vreg.gather [hbm4b:s15+s3], $0x80, v2, vm0, $0xb8;
	[tilespmem:$0x10200] =	vst v63  }
0x5f: {  	s2 =	simm.s32 $0xE200  }
0x60: {  	[tilespmem:s2], [sflag:$0x1] =	stream.indirect_vreg.gather [hbm4b:s16+s3], $0x80, v2, vm0, $0xb8;
	[tilespmem:$0x10200] =	vst v63  }
0x61: {  	s19 =	simm.s32 $0xEA00  }
0x62: {  	[tilespmem:s19], [sflag:$0x1] =	stream.indirect_vreg.gather [hbm4b:s17+s3], $0x80, v2, vm0, $0xb8;
	[tilespmem:$0x10200] =	vst v63  }
0x63: {  	s22 =	simm.s32 $0xF200  }
0x64: {  	[tilespmem:s22], [sflag:$0x1] =	stream.indirect_vreg.gather [hbm4b:s18+s3], $0x80, v2, vm0, $0xb8;
	[tilespmem:$0x10200] =	vst v63  }
0x65: {  	s23 =	simm.s32 $0xFA00  }
0x66: {  	[tilespmem:s23], [sflag:$0x1] =	stream.indirect_vreg.gather [hbm4b:s20+s3], $0x80, v2, vm0, $0xb8;
	[tilespmem:$0x10200] =	vst v63  }
0x67: {  	_ =	swait.ge [sflag:s0], $0x8000  }
0x68: {  	[sflag:s0] =	ssyncset.done $0x0  }
0x69: {  	s24 =	rddreg [dreg:$0x5];
	[sflag:s0] =	ssyncadd.s32 $0xFFFF8000  }
0x6a: {  	[hbm4b:s24+s3] =	stream.linear.scatter [tilespmem:s25], [sflag:$0x2], $0x8000, $0x38;
	[tilespmem:$0x10200] =	vst v63  }
0x6b: {  	s28 =	simm.s32 $0x200;
	s1 =	simm.s32 $0x3200;
	_ =	swait.ge [sflag:s0], $0x8000  }
0x6c: {  	s31 =	simm.s32 $0x2A00;
	s2 =	simm.s32 $0x3A00;
	[sflag:s0] =	ssyncset.done $0x0  }
0x6d: {  	s19 =	simm.s32 $0x0;
	s26 =	rddreg [dreg:$0x6];
	[sflag:s0] =	ssyncadd.s32 $0xFFFF8000  }
0x6e: {  	[hbm4b:s26+s3] =	stream.linear.scatter [tilespmem:s29], [sflag:$0x3], $0x8000, $0x38;
	[tilespmem:$0x10200] =	vst v63  }
0x6f: {  	s25 =	simm.s32 $0x2200;
	s22 =	rddreg [dreg:$0x8];
	s26 =	simm.s32 $0x1200  }
.LBB2_2:
0x70: {  	_ =	swait.ge [sflag:s4], $0x8000  }
0x71: {  	[sflag:s4] =	ssyncset.done $0x0  }
0x72: {  	s23 =	sshra.s32 s19, $0x2;
	[sflag:s4] =	ssyncadd.s32 $0xFFFF8000  }
0x73: {  	v2 =	vld.msk [tilespmem:s23+$0x10], $0xff;
	_ =	sdelay $0x4  }
0x74: {  	v3 =	vshll.u32 v2, $0x5  }
0x75: {  	v2 =	vand.u32 $0x7, v2;
	v3 =	vand.u32 $0xFFFFFF00, v3  }
0x76: {  	v2 =	vor.u32 v2, v3  }
0x77: {  	v2 =	vperm.xlane v2, v0;
	_ =	sdelay $0x1  }
0x78: {  	v2 =	vadd.s32 v1, v2;
	_ =	sdelay $0x4  }
0x79: {  	[tilespmem:s28], [sflag:$0x1] =	stream.indirect_vreg.gather [hbm4b:s30+s3], $0x80, v2, vm0, $0xb8;
	[tilespmem:$0x10200] =	vst v63  }
0x7a: {  	s24 =	simm.s32 $0xA00  }
0x7b: {  	[tilespmem:s24], [sflag:$0x1] =	stream.indirect_vreg.gather [hbm4b:s5+s3], $0x80, v2, vm0, $0xb8;
	[tilespmem:$0x10200] =	vst v63  }
0x7c: {  	_ = 	snop  }
0x7d: {  	[tilespmem:s26], [sflag:$0x1] =	stream.indirect_vreg.gather [hbm4b:s6+s3], $0x80, v2, vm0, $0xb8;
	[tilespmem:$0x10200] =	vst v63  }
0x7e: {  	s24 =	simm.s32 $0x1A00  }
0x7f: {  	[tilespmem:s24], [sflag:$0x1] =	stream.indirect_vreg.gather [hbm4b:s7+s3], $0x80, v2, vm0, $0xb8;
	[tilespmem:$0x10200] =	vst v63  }
0x80: {  	_ = 	snop  }
0x81: {  	[tilespmem:s25], [sflag:$0x1] =	stream.indirect_vreg.gather [hbm4b:s8+s3], $0x80, v2, vm0, $0xb8;
	[tilespmem:$0x10200] =	vst v63  }
0x82: {  	_ = 	snop  }
0x83: {  	[tilespmem:s31], [sflag:$0x1] =	stream.indirect_vreg.gather [hbm4b:s9+s3], $0x80, v2, vm0, $0xb8;
	[tilespmem:$0x10200] =	vst v63  }
0x84: {  	_ = 	snop  }
0x85: {  	[tilespmem:s1], [sflag:$0x1] =	stream.indirect_vreg.gather [hbm4b:s10+s3], $0x80, v2, vm0, $0xb8;
	[tilespmem:$0x10200] =	vst v63  }
0x86: {  	_ = 	snop  }
0x87: {  	[tilespmem:s2], [sflag:$0x1] =	stream.indirect_vreg.gather [hbm4b:s11+s3], $0x80, v2, vm0, $0xb8;
	[tilespmem:$0x10200] =	vst v63  }
0x88: {  	s24 =	simm.s32 $0x4200  }
0x89: {  	[tilespmem:s24], [sflag:$0x1] =	stream.indirect_vreg.gather [hbm4b:s12+s3], $0x80, v2, vm0, $0xb8;
	[tilespmem:$0x10200] =	vst v63  }
0x8a: {  	s24 =	simm.s32 $0x4A00  }
0x8b: {  	[tilespmem:s24], [sflag:$0x1] =	stream.indirect_vreg.gather [hbm4b:s13+s3], $0x80, v2, vm0, $0xb8;
	[tilespmem:$0x10200] =	vst v63  }
0x8c: {  	s24 =	simm.s32 $0x5200  }
0x8d: {  	[tilespmem:s24], [sflag:$0x1] =	stream.indirect_vreg.gather [hbm4b:s14+s3], $0x80, v2, vm0, $0xb8;
	[tilespmem:$0x10200] =	vst v63  }
0x8e: {  	s24 =	simm.s32 $0x5A00  }
0x8f: {  	[tilespmem:s24], [sflag:$0x1] =	stream.indirect_vreg.gather [hbm4b:s15+s3], $0x80, v2, vm0, $0xb8;
	[tilespmem:$0x10200] =	vst v63  }
0x90: {  	s24 =	simm.s32 $0x6200  }
0x91: {  	[tilespmem:s24], [sflag:$0x1] =	stream.indirect_vreg.gather [hbm4b:s16+s3], $0x80, v2, vm0, $0xb8;
	[tilespmem:$0x10200] =	vst v63  }
0x92: {  	s24 =	simm.s32 $0x6A00  }
0x93: {  	[tilespmem:s24], [sflag:$0x1] =	stream.indirect_vreg.gather [hbm4b:s17+s3], $0x80, v2, vm0, $0xb8;
	[tilespmem:$0x10200] =	vst v63  }
0x94: {  	s24 =	simm.s32 $0x7200  }
0x95: {  	[tilespmem:s24], [sflag:$0x1] =	stream.indirect_vreg.gather [hbm4b:s18+s3], $0x80, v2, vm0, $0xb8;
	[tilespmem:$0x10200] =	vst v63  }
0x96: {  	s24 =	simm.s32 $0x7A00  }
0x97: {  	[tilespmem:s24], [sflag:$0x1] =	stream.indirect_vreg.gather [hbm4b:s20+s3], $0x80, v2, vm0, $0xb8;
	[tilespmem:$0x10200] =	vst v63  }
0x98: {  	_ =	swait.ge [sflag:s21], $0x8000  }
0x99: {  	[sflag:s21] =	ssyncset.done $0x0  }
0x9a: {  	[sflag:s21] =	ssyncadd.s32 $0xFFFF8000  }
0x9b: {  	v2 =	vld.msk [tilespmem:s23+$0x18], $0xff;
	_ =	sdelay $0x4  }
0x9c: {  	v3 =	vshll.u32 v2, $0x5  }
0x9d: {  	v2 =	vand.u32 $0x7, v2;
	v3 =	vand.u32 $0xFFFFFF00, v3  }
0x9e: {  	v2 =	vor.u32 v2, v3  }
0x9f: {  	v2 =	vperm.xlane v2, v0;
	_ =	sdelay $0x1  }
0xa0: {  	v2 =	vadd.s32 v1, v2;
	_ =	sdelay $0x4  }
0xa1: {  	[tilespmem:s29], [sflag:$0x1] =	stream.indirect_vreg.gather [hbm4b:s30+s3], $0x80, v2, vm0, $0xb8;
	[tilespmem:$0x10200] =	vst v63  }
0xa2: {  	s24 =	simm.s32 $0x8A00  }
0xa3: {  	[tilespmem:s24], [sflag:$0x1] =	stream.indirect_vreg.gather [hbm4b:s5+s3], $0x80, v2, vm0, $0xb8;
	[tilespmem:$0x10200] =	vst v63  }
0xa4: {  	s24 =	simm.s32 $0x9200  }
0xa5: {  	[tilespmem:s24], [sflag:$0x1] =	stream.indirect_vreg.gather [hbm4b:s6+s3], $0x80, v2, vm0, $0xb8;
	[tilespmem:$0x10200] =	vst v63  }
0xa6: {  	s24 =	simm.s32 $0x9A00  }
0xa7: {  	[tilespmem:s24], [sflag:$0x1] =	stream.indirect_vreg.gather [hbm4b:s7+s3], $0x80, v2, vm0, $0xb8;
	[tilespmem:$0x10200] =	vst v63  }
0xa8: {  	s24 =	simm.s32 $0xA200  }
0xa9: {  	[tilespmem:s24], [sflag:$0x1] =	stream.indirect_vreg.gather [hbm4b:s8+s3], $0x80, v2, vm0, $0xb8;
	[tilespmem:$0x10200] =	vst v63  }
0xaa: {  	s24 =	simm.s32 $0xAA00  }
0xab: {  	[tilespmem:s24], [sflag:$0x1] =	stream.indirect_vreg.gather [hbm4b:s9+s3], $0x80, v2, vm0, $0xb8;
	[tilespmem:$0x10200] =	vst v63  }
0xac: {  	s24 =	simm.s32 $0xB200  }
0xad: {  	[tilespmem:s24], [sflag:$0x1] =	stream.indirect_vreg.gather [hbm4b:s10+s3], $0x80, v2, vm0, $0xb8;
	[tilespmem:$0x10200] =	vst v63  }
0xae: {  	s24 =	simm.s32 $0xBA00  }
0xaf: {  	[tilespmem:s24], [sflag:$0x1] =	stream.indirect_vreg.gather [hbm4b:s11+s3], $0x80, v2, vm0, $0xb8;
	[tilespmem:$0x10200] =	vst v63  }
0xb0: {  	s24 =	simm.s32 $0xC200  }
0xb1: {  	[tilespmem:s24], [sflag:$0x1] =	stream.indirect_vreg.gather [hbm4b:s12+s3], $0x80, v2, vm0, $0xb8;
	[tilespmem:$0x10200] =	vst v63  }
0xb2: {  	s24 =	simm.s32 $0xCA00  }
0xb3: {  	[tilespmem:s24], [sflag:$0x1] =	stream.indirect_vreg.gather [hbm4b:s13+s3], $0x80, v2, vm0, $0xb8;
	[tilespmem:$0x10200] =	vst v63  }
0xb4: {  	s24 =	simm.s32 $0xD200  }
0xb5: {  	[tilespmem:s24], [sflag:$0x1] =	stream.indirect_vreg.gather [hbm4b:s14+s3], $0x80, v2, vm0, $0xb8;
	[tilespmem:$0x10200] =	vst v63  }
0xb6: {  	s24 =	simm.s32 $0xDA00  }
0xb7: {  	[tilespmem:s24], [sflag:$0x1] =	stream.indirect_vreg.gather [hbm4b:s15+s3], $0x80, v2, vm0, $0xb8;
	[tilespmem:$0x10200] =	vst v63  }
0xb8: {  	s24 =	simm.s32 $0xE200  }
0xb9: {  	[tilespmem:s24], [sflag:$0x1] =	stream.indirect_vreg.gather [hbm4b:s16+s3], $0x80, v2, vm0, $0xb8;
	[tilespmem:$0x10200] =	vst v63  }
0xba: {  	s24 =	simm.s32 $0xEA00  }
0xbb: {  	[tilespmem:s24], [sflag:$0x1] =	stream.indirect_vreg.gather [hbm4b:s17+s3], $0x80, v2, vm0, $0xb8;
	[tilespmem:$0x10200] =	vst v63  }
0xbc: {  	s24 =	simm.s32 $0xF200  }
0xbd: {  	[tilespmem:s24], [sflag:$0x1] =	stream.indirect_vreg.gather [hbm4b:s18+s3], $0x80, v2, vm0, $0xb8;
	[tilespmem:$0x10200] =	vst v63  }
0xbe: {  	s24 =	simm.s32 $0xFA00  }
0xbf: {  	[tilespmem:s24], [sflag:$0x1] =	stream.indirect_vreg.gather [hbm4b:s20+s3], $0x80, v2, vm0, $0xb8;
	[tilespmem:$0x10200] =	vst v63  }
0xc0: {  	_ =	swait.ge [sflag:s0], $0x8000  }
0xc1: {  	[sflag:s0] =	ssyncset.done $0x0  }
0xc2: {  	p0 =	sne.s32 s19, $0x780;
	s24 =	sadd.s32 $0xFFFFF000, s22;
	[sflag:s0] =	ssyncadd.s32 $0xFFFF8000  }
0xc3: {  	[hbm4b:s24+s3] =	stream.linear.scatter [tilespmem:s28], [sflag:$0x2], $0x8000, $0x38;
	[tilespmem:$0x10200] =	vst v63  }
.Ltmp0:
0xc4: {  	_ =	swait.ge [sflag:s0], $0x8000;
	(pc) =	sbr.rel @p0 .LBB2_2-.Ltmp0, $4  }
0xc5: {  	[sflag:s0] =	ssyncset.done $0x0  }
0xc6: {  	[sflag:s0] =	ssyncadd.s32 $0xFFFF8000  }
0xc7: {  	[hbm4b:s22+s3] =	stream.linear.scatter [tilespmem:s29], [sflag:$0x3], $0x8000, $0x38;
	[tilespmem:$0x10200] =	vst v63  }
0xc8: {  	s19 =	sadd.s32 $0x40, s19;
	s22 =	sadd.s32 $0x2000, s22  }
0xc9: {  	_ =	swait.ge [sflag:s4], $0x8000  }
0xca: {  	[sflag:s4] =	ssyncset.done $0x0  }
0xcb: {  	[sflag:s4] =	ssyncadd.s32 $0xFFFF8000  }
0xcc: {  	_ =	swait.ge [sflag:s21], $0x8000  }
0xcd: {  	s1 =	rddreg [dreg:$0x9]  }
0xce: {  	s19 =	rddreg [dreg:$0x7];
	s1 =	sadd.s32 $0x1, s1  }
0xcf: {  	p0 =	sne.s32 s1, s19  }
.Ltmp1:
0xd0: {  	_ = 	snop;
	(pc) =	sbr.rel @p0 .LBB2_1-.Ltmp1, $4  }
0xd1: {  	s22 =	simm.s32 $0xA00;
	s23 =	simm.s32 $0x1200;
	s24 =	simm.s32 $0x1A00  }
0xd2: {  	s26 =	simm.s32 $0x2200;
	s28 =	simm.s32 $0x2A00;
	s2 =	simm.s32 $0x3A00  }
0xd3: {  	s25 =	simm.s32 $0x200;
	s31 =	simm.s32 $0x4200;
	[sflag:s21] =	ssyncset.done $0x0  }
0xd4: {  	[sflag:s21] =	ssyncadd.s32 $0xFFFF8000;
	[dreg:$0x9] =	wrdreg s1;
	s1 =	simm.s32 $0x3200  }
0xd5: {  	_ =	sfence.sel $0x180000  }
0xd6: {  	[bflag:$0x0] =	sbarrier.arrive $0xFFFF  }
0xd7: {  	_ =	strace $0x90000047  }
0xd8: {  	s0 =	stileid.u32;
	[bflag:$0x2] =	sbarrier.arrive $0xFFFF  }
0xd9: {  	p0 =	sne.s32 s0, $0x0;
	s0 =	rddreg [dreg:$0x3]  }
0xda: {  	s0 =	sadd.s32 @!p0 $0x100000, s0  }
0xdb: {  	[sflag:s0] =	ssyncadd.tile.s32 @!p0 $0x1;
	_ =	shalt  }
.Lfunc_end2:
_tile_overlayer_lowered:
.L_overlay_start_2:
0xdc: {  	(tag) =	ssettag $0x2  }
0xdd: {  	s0 =	rddreg [dreg:$0x0];
	s2 =	stileid.u32  }
0xde: {  	s1 =	rddreg [dreg:$0x1];
	p0 =	sne.s32 s2, $0x0  }
0xdf: {  	s3 =	rddreg [dreg:$0x2];
	[bflag:$0x3] =	sbarrier.arrive $0xFFFF;
	s2 =	simm.s32 @!p0 $0x1C04  }
0xe0: {  	[timem:s3], [sflag:s2] =	dma.local @!p0 [hbm:s0], s1  }
0xe1: {  	s0 =	simm.s32 @!p0 $0x4  }
0xe2: {  	_ =	swait.ge @!p0 [sflag:s0], s1  }
0xe3: {  	s1 =	ssub.s32 @!p0 $0x0, s1;
	[sflag:s0] =	ssyncset.done @!p0 $0x0  }
0xe4: {  	[sflag:s0] =	ssyncadd.s32 @!p0 s1  }
0xe5: {  	[bflag:$0x3] =	sbarrier.arrive $0xFFFF  }
0xe6: {  	_ =	shalt  }

</sc_bundles>
